<compile_context>
chip_gen: v7x
topology: tpu7x:2x2x1
jax: 0.10.2.dev20260603
libtpu: 0.0.44.dev20260713+nightly
codegen_flags: <defaults>
</compile_context>

<pallas_src>
import functools

import jax
import jax.numpy as jnp
from jax import lax
from jax.experimental import pallas as pl
from jax.experimental.pallas import tpu as pltpu
from jax.experimental.pallas import tpu_sc as plsc

TOK_BLK = 512
K_TILE = 2048
N_CODES = 8192
C = 32


def _argmin_body(z_ref, embT_ref, idx_ref):
    z = z_ref[...]
    zb = z.astype(jnp.bfloat16)
    z2 = jnp.sum(z * z, axis=1, keepdims=True)
    half_v = []
    half_i = []
    for h in range(2):
        minval = jnp.full((TOK_BLK, 1), jnp.inf, dtype=jnp.float32)
        minidx = jnp.zeros((TOK_BLK, 1), dtype=jnp.int32)
        for t in range(N_CODES // (2 * K_TILE)):
            j = h * (N_CODES // (2 * K_TILE)) + t
            w = embT_ref[:, j * K_TILE:(j + 1) * K_TILE]
            e2 = jnp.sum(w * w, axis=0, keepdims=True)
            p = lax.dot_general(zb, w.astype(jnp.bfloat16),
                                (((1,), (0,)), ((), ())),
                                preferred_element_type=jnp.float32)
            d = (z2 - 2.0 * p) + e2
            m = jnp.min(d, axis=1, keepdims=True)
            iota = lax.broadcasted_iota(jnp.int32, (TOK_BLK, K_TILE), 1)
            li = jnp.min(jnp.where(d == m, iota + j * K_TILE,
                                   jnp.int32(2 ** 30)),
                         axis=1, keepdims=True)
            better = m < minval
            minval = jnp.where(better, m, minval)
            minidx = jnp.where(better, li, minidx)
        half_v.append(minval)
        half_i.append(minidx)
    m0_bf = half_v[0].astype(jnp.bfloat16).astype(jnp.float32)
    take1 = half_v[1] < m0_bf
    idx_ref[...] = jnp.where(take1, half_i[1], half_i[0])


def _tc_argmin(zf, embT):
    n = zf.shape[0]
    grid = n // TOK_BLK
    return pl.pallas_call(
        _argmin_body,
        grid=(grid,),
        in_specs=[
            pl.BlockSpec((TOK_BLK, C), lambda i: (i, 0)),
            pl.BlockSpec((C, N_CODES), lambda i: (0, 0)),
        ],
        out_specs=pl.BlockSpec((TOK_BLK, 1), lambda i: (i, 0)),
        out_shape=jax.ShapeDtypeStruct((n, 1), jnp.int32),
    )(zf, embT)


def _sc_gather(emb, idx3, n_tokens):
    info = plsc.get_sparse_core_info()
    nw = info.num_cores * info.num_subcores
    chunks, chunk = idx3.shape[1], idx3.shape[2]
    b_per_w = chunks * chunk
    mesh = plsc.VectorSubcoreMesh(core_axis_name="c", subcore_axis_name="s")

    @functools.partial(
        pl.kernel,
        mesh=mesh,
        out_type=jax.ShapeDtypeStruct((n_tokens, C), jnp.float32),
        scratch_types=[
            pltpu.VMEM((chunks, chunk), jnp.int32),
            pltpu.VMEM((b_per_w, C), jnp.float32),
            pltpu.SemaphoreType.DMA,
        ],
        compiler_params=pltpu.CompilerParams(use_tc_tiling_on_sc=False),
    )
    def gather_kernel(emb_hbm, idx_hbm, out_hbm, idx_v, rows_v, sem):
        wid = lax.axis_index("s") * info.num_cores + lax.axis_index("c")
        pltpu.sync_copy(idx_hbm.at[wid], idx_v)
        handles = [
            pltpu.async_copy(emb_hbm.at[idx_v.at[j]],
                             rows_v.at[pl.ds(j * chunk, chunk)], sem)
            for j in range(chunks)
        ]
        for hdl in handles:
            hdl.wait()
        pltpu.sync_copy(rows_v, out_hbm.at[pl.ds(wid * b_per_w, b_per_w)])

    return gather_kernel(emb, idx3)


def kernel(z, emb):
    b, c, h, w = z.shape
    n = b * h * w
    zf = jnp.transpose(z, (0, 2, 3, 1)).reshape(n, c).astype(jnp.float32)
    embT = emb.astype(jnp.float32).T
    idx = _tc_argmin(zf, embT)
    info = plsc.get_sparse_core_info()
    nw = info.num_cores * info.num_subcores
    idx3 = idx.reshape(nw, (n // nw) // 128, 128)
    zq = _sc_gather(emb.astype(jnp.float32), idx3, n)
    zq = zq.reshape(b, h, w, c)
    zq = jnp.transpose(zq, (0, 3, 1, 2))
    return zq.astype(z.dtype)

# --- scband reference (transcript-rebuilt; emitter-appended) ---
"""Pipeline reference for scband-vqlayer-67224828117166 (READ-ONLY COPY).

The authoritative reference and input builder live on the scoring server;
editing this copy changes nothing except your own understanding.
"""

import jax, jax.numpy as jnp
import numpy as np


def setup_inputs(seed: int = 0) -> dict:
    key = jax.random.key(seed)
    k1, k2 = jax.random.split(key)
    z = jax.random.normal(k1, (8, 32, 64, 64), dtype=jnp.float32)
    emb = jax.random.normal(k2, (8192, 32), dtype=jnp.float32)
    return {"z": z, "emb": emb}


def reference(z, emb):
    b, c, h, w = z.shape
    embf = emb.astype(jnp.float32)
    zf = jnp.transpose(z, (0, 2, 3, 1)).reshape(-1, c).astype(jnp.float32)
    d = (jnp.sum(zf ** 2, axis=1, keepdims=True)
         - 2.0 * (zf @ embf.T)
         + jnp.sum(embf ** 2, axis=1))
    idx = jnp.argmin(d, axis=1)
    zq = jnp.take(embf, idx, axis=0).reshape(b, h, w, c)
    zq = jnp.transpose(zq, (0, 3, 1, 2))
    return zq.astype(z.dtype)

if __name__ == "__main__":
    import jax
    _d = setup_inputs()
    print(jax.jit(kernel)(*tuple(_d.values())))

</pallas_src>

<mosaic_0001>
#map = affine_map<(d0, d1) -> (0, 0)>
#map1 = affine_map<(d0, d1) -> (0, 0, 0)>
module attributes {stable_mosaic.version = 14 : i64} {
  func.func @gather_kernel(%arg0: i32, %arg1: i32, %arg2: memref<8192x32xf32, #tpu.memory_space<hbm>>, %arg3: memref<32x8x128xi32, #tpu.memory_space<hbm>>, %arg4: memref<32768x32xf32, #tpu.memory_space<hbm>>, %arg5: memref<8x128xi32, #tpu.memory_space<vmem>>, %arg6: memref<1024x32xf32, #tpu.memory_space<vmem>>, %arg7: memref<!tpu.dma_semaphore, #tpu.memory_space<semaphore_mem>>) attributes {dimension_semantics = [#tpu.dimension_semantics<core_parallel>, #tpu.dimension_semantics<subcore_parallel>], iteration_bounds = array<i64: 2, 16>, scalar_prefetch = 0 : i64, scratch_operands = 3 : i64, tpu.core_type = #tpu.core_type<sc_vector_subcore>, window_params = [{transform_indices = #map}, {transform_indices = #map1}, {transform_indices = #map}]} {
    %mul3A = arith.constant 2 : i32
    %mul3A_0 = arith.muli %arg1, %mul3A : i32
    %add3A = arith.addi %mul3A_0, %arg0 : i32
    "tpu.region"() ({
      %run_scoped3A = tpu.sem_alloc : memref<!tpu.dma_semaphore, #tpu.memory_space<semaphore_mem>>
      %dma_start3A_161 = arith.constant 0 : i32
      %dma_start3A_162 = arith.constant 0 : i32
      %dma_start3A_163 = tpu.memref_slice %arg3[%add3A, %dma_start3A_161, %dma_start3A_162] : memref<32x8x128xi32, #tpu.memory_space<hbm>> -> memref<1x8x128xi32, #tpu.memory_space<hbm>>
      %dma_start3A_164 = tpu.memref_squeeze %dma_start3A_163 : memref<1x8x128xi32, #tpu.memory_space<hbm>> -> memref<8x128xi32, #tpu.memory_space<hbm>>
      %dma_start3A_165 = arith.constant 0 : i32
      %dma_start3A_166 = arith.constant 0 : i32
      %dma_start3A_167 = tpu.memref_slice %arg3[%add3A, %dma_start3A_165, %dma_start3A_166] : memref<32x8x128xi32, #tpu.memory_space<hbm>> -> memref<1x8x128xi32, #tpu.memory_space<hbm>>
      %dma_start3A_168 = tpu.memref_squeeze %dma_start3A_167 : memref<1x8x128xi32, #tpu.memory_space<hbm>> -> memref<8x128xi32, #tpu.memory_space<hbm>>
      tpu.enqueue_dma source(%dma_start3A_168 : memref<8x128xi32, #tpu.memory_space<hbm>>) target(%arg5 : memref<8x128xi32, #tpu.memory_space<vmem>>) target_semaphore(%run_scoped3A : memref<!tpu.dma_semaphore, #tpu.memory_space<semaphore_mem>>)
      %dma_wait3A_169 = arith.constant 0 : i32
      %dma_wait3A_170 = arith.constant 0 : i32
      %dma_wait3A_171 = tpu.memref_slice %arg3[%add3A, %dma_wait3A_169, %dma_wait3A_170] : memref<32x8x128xi32, #tpu.memory_space<hbm>> -> memref<1x8x128xi32, #tpu.memory_space<hbm>>
      %dma_wait3A_172 = tpu.memref_squeeze %dma_wait3A_171 : memref<1x8x128xi32, #tpu.memory_space<hbm>> -> memref<8x128xi32, #tpu.memory_space<hbm>>
      %dma_wait3A_173 = arith.constant 0 : i32
      %dma_wait3A_174 = arith.constant 0 : i32
      %dma_wait3A_175 = tpu.memref_slice %arg3[%add3A, %dma_wait3A_173, %dma_wait3A_174] : memref<32x8x128xi32, #tpu.memory_space<hbm>> -> memref<1x8x128xi32, #tpu.memory_space<hbm>>
      %dma_wait3A_176 = tpu.memref_squeeze %dma_wait3A_175 : memref<1x8x128xi32, #tpu.memory_space<hbm>> -> memref<8x128xi32, #tpu.memory_space<hbm>>
      tpu.wait_dma2 semaphore(%run_scoped3A : memref<!tpu.dma_semaphore, #tpu.memory_space<semaphore_mem>>) src(%dma_wait3A_176 : memref<8x128xi32, #tpu.memory_space<hbm>>) dst(%arg5 : memref<8x128xi32, #tpu.memory_space<vmem>>)
      tpu.yield
    }) : () -> ()
    %dma_start3A = arith.constant 0 : i32
    %dma_start3A_1 = arith.constant 0 : i32
    %dma_start3A_2 = arith.constant 0 : i32
    %dma_start3A_3 = tpu.memref_slice %arg6[%dma_start3A_1, %dma_start3A_2] : memref<1024x32xf32, #tpu.memory_space<vmem>> -> memref<128x32xf32, #tpu.memory_space<vmem>>
    %dma_start3A_4 = arith.constant 0 : i32
    %dma_start3A_5 = tpu.memref_slice %arg5[%dma_start3A, %dma_start3A_4] : memref<8x128xi32, #tpu.memory_space<vmem>> -> memref<1x128xi32, #tpu.memory_space<vmem>>
    %dma_start3A_6 = tpu.memref_squeeze %dma_start3A_5 : memref<1x128xi32, #tpu.memory_space<vmem>> -> memref<128xi32, #tpu.memory_space<vmem>>
    %dma_start3A_7 = arith.constant 0 : i32
    %dma_start3A_8 = arith.constant 0 : i32
    %dma_start3A_9 = tpu.memref_slice %arg2[%dma_start3A_7, %dma_start3A_8] : memref<8192x32xf32, #tpu.memory_space<hbm>> -> memref<8192x32xf32, #tpu.memory_space<hbm>>
    tpu.enqueue_indirect_dma source(%dma_start3A_9 : memref<8192x32xf32, #tpu.memory_space<hbm>>) target(%dma_start3A_3 : memref<128x32xf32, #tpu.memory_space<vmem>>) offsets(%dma_start3A_6 : memref<128xi32, #tpu.memory_space<vmem>>) semaphore(%arg7 : memref<!tpu.dma_semaphore, #tpu.memory_space<semaphore_mem>>)
    %dma_start3A_10 = arith.constant 1 : i32
    %dma_start3A_11 = arith.constant 128 : i32
    %dma_start3A_12 = arith.constant 0 : i32
    %dma_start3A_13 = tpu.memref_slice %arg6[%dma_start3A_11, %dma_start3A_12] : memref<1024x32xf32, #tpu.memory_space<vmem>> -> memref<128x32xf32, #tpu.memory_space<vmem>>
    %dma_start3A_14 = arith.constant 0 : i32
    %dma_start3A_15 = tpu.memref_slice %arg5[%dma_start3A_10, %dma_start3A_14] : memref<8x128xi32, #tpu.memory_space<vmem>> -> memref<1x128xi32, #tpu.memory_space<vmem>>
    %dma_start3A_16 = tpu.memref_squeeze %dma_start3A_15 : memref<1x128xi32, #tpu.memory_space<vmem>> -> memref<128xi32, #tpu.memory_space<vmem>>
    %dma_start3A_17 = arith.constant 0 : i32
    %dma_start3A_18 = arith.constant 0 : i32
    %dma_start3A_19 = tpu.memref_slice %arg2[%dma_start3A_17, %dma_start3A_18] : memref<8192x32xf32, #tpu.memory_space<hbm>> -> memref<8192x32xf32, #tpu.memory_space<hbm>>
    tpu.enqueue_indirect_dma source(%dma_start3A_19 : memref<8192x32xf32, #tpu.memory_space<hbm>>) target(%dma_start3A_13 : memref<128x32xf32, #tpu.memory_space<vmem>>) offsets(%dma_start3A_16 : memref<128xi32, #tpu.memory_space<vmem>>) semaphore(%arg7 : memref<!tpu.dma_semaphore, #tpu.memory_space<semaphore_mem>>)
    %dma_start3A_20 = arith.constant 2 : i32
    %dma_start3A_21 = arith.constant 256 : i32
    %dma_start3A_22 = arith.constant 0 : i32
    %dma_start3A_23 = tpu.memref_slice %arg6[%dma_start3A_21, %dma_start3A_22] : memref<1024x32xf32, #tpu.memory_space<vmem>> -> memref<128x32xf32, #tpu.memory_space<vmem>>
    %dma_start3A_24 = arith.constant 0 : i32
    %dma_start3A_25 = tpu.memref_slice %arg5[%dma_start3A_20, %dma_start3A_24] : memref<8x128xi32, #tpu.memory_space<vmem>> -> memref<1x128xi32, #tpu.memory_space<vmem>>
    %dma_start3A_26 = tpu.memref_squeeze %dma_start3A_25 : memref<1x128xi32, #tpu.memory_space<vmem>> -> memref<128xi32, #tpu.memory_space<vmem>>
    %dma_start3A_27 = arith.constant 0 : i32
    %dma_start3A_28 = arith.constant 0 : i32
    %dma_start3A_29 = tpu.memref_slice %arg2[%dma_start3A_27, %dma_start3A_28] : memref<8192x32xf32, #tpu.memory_space<hbm>> -> memref<8192x32xf32, #tpu.memory_space<hbm>>
    tpu.enqueue_indirect_dma source(%dma_start3A_29 : memref<8192x32xf32, #tpu.memory_space<hbm>>) target(%dma_start3A_23 : memref<128x32xf32, #tpu.memory_space<vmem>>) offsets(%dma_start3A_26 : memref<128xi32, #tpu.memory_space<vmem>>) semaphore(%arg7 : memref<!tpu.dma_semaphore, #tpu.memory_space<semaphore_mem>>)
    %dma_start3A_30 = arith.constant 3 : i32
    %dma_start3A_31 = arith.constant 384 : i32
    %dma_start3A_32 = arith.constant 0 : i32
    %dma_start3A_33 = tpu.memref_slice %arg6[%dma_start3A_31, %dma_start3A_32] : memref<1024x32xf32, #tpu.memory_space<vmem>> -> memref<128x32xf32, #tpu.memory_space<vmem>>
    %dma_start3A_34 = arith.constant 0 : i32
    %dma_start3A_35 = tpu.memref_slice %arg5[%dma_start3A_30, %dma_start3A_34] : memref<8x128xi32, #tpu.memory_space<vmem>> -> memref<1x128xi32, #tpu.memory_space<vmem>>
    %dma_start3A_36 = tpu.memref_squeeze %dma_start3A_35 : memref<1x128xi32, #tpu.memory_space<vmem>> -> memref<128xi32, #tpu.memory_space<vmem>>
    %dma_start3A_37 = arith.constant 0 : i32
    %dma_start3A_38 = arith.constant 0 : i32
    %dma_start3A_39 = tpu.memref_slice %arg2[%dma_start3A_37, %dma_start3A_38] : memref<8192x32xf32, #tpu.memory_space<hbm>> -> memref<8192x32xf32, #tpu.memory_space<hbm>>
    tpu.enqueue_indirect_dma source(%dma_start3A_39 : memref<8192x32xf32, #tpu.memory_space<hbm>>) target(%dma_start3A_33 : memref<128x32xf32, #tpu.memory_space<vmem>>) offsets(%dma_start3A_36 : memref<128xi32, #tpu.memory_space<vmem>>) semaphore(%arg7 : memref<!tpu.dma_semaphore, #tpu.memory_space<semaphore_mem>>)
    %dma_start3A_40 = arith.constant 4 : i32
    %dma_start3A_41 = arith.constant 512 : i32
    %dma_start3A_42 = arith.constant 0 : i32
    %dma_start3A_43 = tpu.memref_slice %arg6[%dma_start3A_41, %dma_start3A_42] : memref<1024x32xf32, #tpu.memory_space<vmem>> -> memref<128x32xf32, #tpu.memory_space<vmem>>
    %dma_start3A_44 = arith.constant 0 : i32
    %dma_start3A_45 = tpu.memref_slice %arg5[%dma_start3A_40, %dma_start3A_44] : memref<8x128xi32, #tpu.memory_space<vmem>> -> memref<1x128xi32, #tpu.memory_space<vmem>>
    %dma_start3A_46 = tpu.memref_squeeze %dma_start3A_45 : memref<1x128xi32, #tpu.memory_space<vmem>> -> memref<128xi32, #tpu.memory_space<vmem>>
    %dma_start3A_47 = arith.constant 0 : i32
    %dma_start3A_48 = arith.constant 0 : i32
    %dma_start3A_49 = tpu.memref_slice %arg2[%dma_start3A_47, %dma_start3A_48] : memref<8192x32xf32, #tpu.memory_space<hbm>> -> memref<8192x32xf32, #tpu.memory_space<hbm>>
    tpu.enqueue_indirect_dma source(%dma_start3A_49 : memref<8192x32xf32, #tpu.memory_space<hbm>>) target(%dma_start3A_43 : memref<128x32xf32, #tpu.memory_space<vmem>>) offsets(%dma_start3A_46 : memref<128xi32, #tpu.memory_space<vmem>>) semaphore(%arg7 : memref<!tpu.dma_semaphore, #tpu.memory_space<semaphore_mem>>)
    %dma_start3A_50 = arith.constant 5 : i32
    %dma_start3A_51 = arith.constant 640 : i32
    %dma_start3A_52 = arith.constant 0 : i32
    %dma_start3A_53 = tpu.memref_slice %arg6[%dma_start3A_51, %dma_start3A_52] : memref<1024x32xf32, #tpu.memory_space<vmem>> -> memref<128x32xf32, #tpu.memory_space<vmem>>
    %dma_start3A_54 = arith.constant 0 : i32
    %dma_start3A_55 = tpu.memref_slice %arg5[%dma_start3A_50, %dma_start3A_54] : memref<8x128xi32, #tpu.memory_space<vmem>> -> memref<1x128xi32, #tpu.memory_space<vmem>>
    %dma_start3A_56 = tpu.memref_squeeze %dma_start3A_55 : memref<1x128xi32, #tpu.memory_space<vmem>> -> memref<128xi32, #tpu.memory_space<vmem>>
    %dma_start3A_57 = arith.constant 0 : i32
    %dma_start3A_58 = arith.constant 0 : i32
    %dma_start3A_59 = tpu.memref_slice %arg2[%dma_start3A_57, %dma_start3A_58] : memref<8192x32xf32, #tpu.memory_space<hbm>> -> memref<8192x32xf32, #tpu.memory_space<hbm>>
    tpu.enqueue_indirect_dma source(%dma_start3A_59 : memref<8192x32xf32, #tpu.memory_space<hbm>>) target(%dma_start3A_53 : memref<128x32xf32, #tpu.memory_space<vmem>>) offsets(%dma_start3A_56 : memref<128xi32, #tpu.memory_space<vmem>>) semaphore(%arg7 : memref<!tpu.dma_semaphore, #tpu.memory_space<semaphore_mem>>)
    %dma_start3A_60 = arith.constant 6 : i32
    %dma_start3A_61 = arith.constant 768 : i32
    %dma_start3A_62 = arith.constant 0 : i32
    %dma_start3A_63 = tpu.memref_slice %arg6[%dma_start3A_61, %dma_start3A_62] : memref<1024x32xf32, #tpu.memory_space<vmem>> -> memref<128x32xf32, #tpu.memory_space<vmem>>
    %dma_start3A_64 = arith.constant 0 : i32
    %dma_start3A_65 = tpu.memref_slice %arg5[%dma_start3A_60, %dma_start3A_64] : memref<8x128xi32, #tpu.memory_space<vmem>> -> memref<1x128xi32, #tpu.memory_space<vmem>>
    %dma_start3A_66 = tpu.memref_squeeze %dma_start3A_65 : memref<1x128xi32, #tpu.memory_space<vmem>> -> memref<128xi32, #tpu.memory_space<vmem>>
    %dma_start3A_67 = arith.constant 0 : i32
    %dma_start3A_68 = arith.constant 0 : i32
    %dma_start3A_69 = tpu.memref_slice %arg2[%dma_start3A_67, %dma_start3A_68] : memref<8192x32xf32, #tpu.memory_space<hbm>> -> memref<8192x32xf32, #tpu.memory_space<hbm>>
    tpu.enqueue_indirect_dma source(%dma_start3A_69 : memref<8192x32xf32, #tpu.memory_space<hbm>>) target(%dma_start3A_63 : memref<128x32xf32, #tpu.memory_space<vmem>>) offsets(%dma_start3A_66 : memref<128xi32, #tpu.memory_space<vmem>>) semaphore(%arg7 : memref<!tpu.dma_semaphore, #tpu.memory_space<semaphore_mem>>)
    %dma_start3A_70 = arith.constant 7 : i32
    %dma_start3A_71 = arith.constant 896 : i32
    %dma_start3A_72 = arith.constant 0 : i32
    %dma_start3A_73 = tpu.memref_slice %arg6[%dma_start3A_71, %dma_start3A_72] : memref<1024x32xf32, #tpu.memory_space<vmem>> -> memref<128x32xf32, #tpu.memory_space<vmem>>
    %dma_start3A_74 = arith.constant 0 : i32
    %dma_start3A_75 = tpu.memref_slice %arg5[%dma_start3A_70, %dma_start3A_74] : memref<8x128xi32, #tpu.memory_space<vmem>> -> memref<1x128xi32, #tpu.memory_space<vmem>>
    %dma_start3A_76 = tpu.memref_squeeze %dma_start3A_75 : memref<1x128xi32, #tpu.memory_space<vmem>> -> memref<128xi32, #tpu.memory_space<vmem>>
    %dma_start3A_77 = arith.constant 0 : i32
    %dma_start3A_78 = arith.constant 0 : i32
    %dma_start3A_79 = tpu.memref_slice %arg2[%dma_start3A_77, %dma_start3A_78] : memref<8192x32xf32, #tpu.memory_space<hbm>> -> memref<8192x32xf32, #tpu.memory_space<hbm>>
    tpu.enqueue_indirect_dma source(%dma_start3A_79 : memref<8192x32xf32, #tpu.memory_space<hbm>>) target(%dma_start3A_73 : memref<128x32xf32, #tpu.memory_space<vmem>>) offsets(%dma_start3A_76 : memref<128xi32, #tpu.memory_space<vmem>>) semaphore(%arg7 : memref<!tpu.dma_semaphore, #tpu.memory_space<semaphore_mem>>)
    %dma_wait3A = arith.constant 0 : i32
    %dma_wait3A_80 = arith.constant 0 : i32
    %dma_wait3A_81 = arith.constant 0 : i32
    %dma_wait3A_82 = tpu.memref_slice %arg6[%dma_wait3A_80, %dma_wait3A_81] : memref<1024x32xf32, #tpu.memory_space<vmem>> -> memref<128x32xf32, #tpu.memory_space<vmem>>
    %dma_wait3A_83 = arith.constant 0 : i32
    %dma_wait3A_84 = tpu.memref_slice %arg5[%dma_wait3A, %dma_wait3A_83] : memref<8x128xi32, #tpu.memory_space<vmem>> -> memref<1x128xi32, #tpu.memory_space<vmem>>
    %dma_wait3A_85 = tpu.memref_squeeze %dma_wait3A_84 : memref<1x128xi32, #tpu.memory_space<vmem>> -> memref<128xi32, #tpu.memory_space<vmem>>
    %dma_wait3A_86 = arith.constant 0 : i32
    %dma_wait3A_87 = arith.constant 0 : i32
    %dma_wait3A_88 = tpu.memref_slice %arg2[%dma_wait3A_86, %dma_wait3A_87] : memref<8192x32xf32, #tpu.memory_space<hbm>> -> memref<8192x32xf32, #tpu.memory_space<hbm>>
    tpu.wait_indirect_dma semaphore(%arg7 : memref<!tpu.dma_semaphore, #tpu.memory_space<semaphore_mem>>) src(%dma_wait3A_88 : memref<8192x32xf32, #tpu.memory_space<hbm>>) dst(%dma_wait3A_82 : memref<128x32xf32, #tpu.memory_space<vmem>>)
    %dma_wait3A_89 = arith.constant 1 : i32
    %dma_wait3A_90 = arith.constant 128 : i32
    %dma_wait3A_91 = arith.constant 0 : i32
    %dma_wait3A_92 = tpu.memref_slice %arg6[%dma_wait3A_90, %dma_wait3A_91] : memref<1024x32xf32, #tpu.memory_space<vmem>> -> memref<128x32xf32, #tpu.memory_space<vmem>>
    %dma_wait3A_93 = arith.constant 0 : i32
    %dma_wait3A_94 = tpu.memref_slice %arg5[%dma_wait3A_89, %dma_wait3A_93] : memref<8x128xi32, #tpu.memory_space<vmem>> -> memref<1x128xi32, #tpu.memory_space<vmem>>
    %dma_wait3A_95 = tpu.memref_squeeze %dma_wait3A_94 : memref<1x128xi32, #tpu.memory_space<vmem>> -> memref<128xi32, #tpu.memory_space<vmem>>
    %dma_wait3A_96 = arith.constant 0 : i32
    %dma_wait3A_97 = arith.constant 0 : i32
    %dma_wait3A_98 = tpu.memref_slice %arg2[%dma_wait3A_96, %dma_wait3A_97] : memref<8192x32xf32, #tpu.memory_space<hbm>> -> memref<8192x32xf32, #tpu.memory_space<hbm>>
    tpu.wait_indirect_dma semaphore(%arg7 : memref<!tpu.dma_semaphore, #tpu.memory_space<semaphore_mem>>) src(%dma_wait3A_98 : memref<8192x32xf32, #tpu.memory_space<hbm>>) dst(%dma_wait3A_92 : memref<128x32xf32, #tpu.memory_space<vmem>>)
    %dma_wait3A_99 = arith.constant 2 : i32
    %dma_wait3A_100 = arith.constant 256 : i32
    %dma_wait3A_101 = arith.constant 0 : i32
    %dma_wait3A_102 = tpu.memref_slice %arg6[%dma_wait3A_100, %dma_wait3A_101] : memref<1024x32xf32, #tpu.memory_space<vmem>> -> memref<128x32xf32, #tpu.memory_space<vmem>>
    %dma_wait3A_103 = arith.constant 0 : i32
    %dma_wait3A_104 = tpu.memref_slice %arg5[%dma_wait3A_99, %dma_wait3A_103] : memref<8x128xi32, #tpu.memory_space<vmem>> -> memref<1x128xi32, #tpu.memory_space<vmem>>
    %dma_wait3A_105 = tpu.memref_squeeze %dma_wait3A_104 : memref<1x128xi32, #tpu.memory_space<vmem>> -> memref<128xi32, #tpu.memory_space<vmem>>
    %dma_wait3A_106 = arith.constant 0 : i32
    %dma_wait3A_107 = arith.constant 0 : i32
    %dma_wait3A_108 = tpu.memref_slice %arg2[%dma_wait3A_106, %dma_wait3A_107] : memref<8192x32xf32, #tpu.memory_space<hbm>> -> memref<8192x32xf32, #tpu.memory_space<hbm>>
    tpu.wait_indirect_dma semaphore(%arg7 : memref<!tpu.dma_semaphore, #tpu.memory_space<semaphore_mem>>) src(%dma_wait3A_108 : memref<8192x32xf32, #tpu.memory_space<hbm>>) dst(%dma_wait3A_102 : memref<128x32xf32, #tpu.memory_space<vmem>>)
    %dma_wait3A_109 = arith.constant 3 : i32
    %dma_wait3A_110 = arith.constant 384 : i32
    %dma_wait3A_111 = arith.constant 0 : i32
    %dma_wait3A_112 = tpu.memref_slice %arg6[%dma_wait3A_110, %dma_wait3A_111] : memref<1024x32xf32, #tpu.memory_space<vmem>> -> memref<128x32xf32, #tpu.memory_space<vmem>>
    %dma_wait3A_113 = arith.constant 0 : i32
    %dma_wait3A_114 = tpu.memref_slice %arg5[%dma_wait3A_109, %dma_wait3A_113] : memref<8x128xi32, #tpu.memory_space<vmem>> -> memref<1x128xi32, #tpu.memory_space<vmem>>
    %dma_wait3A_115 = tpu.memref_squeeze %dma_wait3A_114 : memref<1x128xi32, #tpu.memory_space<vmem>> -> memref<128xi32, #tpu.memory_space<vmem>>
    %dma_wait3A_116 = arith.constant 0 : i32
    %dma_wait3A_117 = arith.constant 0 : i32
    %dma_wait3A_118 = tpu.memref_slice %arg2[%dma_wait3A_116, %dma_wait3A_117] : memref<8192x32xf32, #tpu.memory_space<hbm>> -> memref<8192x32xf32, #tpu.memory_space<hbm>>
    tpu.wait_indirect_dma semaphore(%arg7 : memref<!tpu.dma_semaphore, #tpu.memory_space<semaphore_mem>>) src(%dma_wait3A_118 : memref<8192x32xf32, #tpu.memory_space<hbm>>) dst(%dma_wait3A_112 : memref<128x32xf32, #tpu.memory_space<vmem>>)
    %dma_wait3A_119 = arith.constant 4 : i32
    %dma_wait3A_120 = arith.constant 512 : i32
    %dma_wait3A_121 = arith.constant 0 : i32
    %dma_wait3A_122 = tpu.memref_slice %arg6[%dma_wait3A_120, %dma_wait3A_121] : memref<1024x32xf32, #tpu.memory_space<vmem>> -> memref<128x32xf32, #tpu.memory_space<vmem>>
    %dma_wait3A_123 = arith.constant 0 : i32
    %dma_wait3A_124 = tpu.memref_slice %arg5[%dma_wait3A_119, %dma_wait3A_123] : memref<8x128xi32, #tpu.memory_space<vmem>> -> memref<1x128xi32, #tpu.memory_space<vmem>>
    %dma_wait3A_125 = tpu.memref_squeeze %dma_wait3A_124 : memref<1x128xi32, #tpu.memory_space<vmem>> -> memref<128xi32, #tpu.memory_space<vmem>>
    %dma_wait3A_126 = arith.constant 0 : i32
    %dma_wait3A_127 = arith.constant 0 : i32
    %dma_wait3A_128 = tpu.memref_slice %arg2[%dma_wait3A_126, %dma_wait3A_127] : memref<8192x32xf32, #tpu.memory_space<hbm>> -> memref<8192x32xf32, #tpu.memory_space<hbm>>
    tpu.wait_indirect_dma semaphore(%arg7 : memref<!tpu.dma_semaphore, #tpu.memory_space<semaphore_mem>>) src(%dma_wait3A_128 : memref<8192x32xf32, #tpu.memory_space<hbm>>) dst(%dma_wait3A_122 : memref<128x32xf32, #tpu.memory_space<vmem>>)
    %dma_wait3A_129 = arith.constant 5 : i32
    %dma_wait3A_130 = arith.constant 640 : i32
    %dma_wait3A_131 = arith.constant 0 : i32
    %dma_wait3A_132 = tpu.memref_slice %arg6[%dma_wait3A_130, %dma_wait3A_131] : memref<1024x32xf32, #tpu.memory_space<vmem>> -> memref<128x32xf32, #tpu.memory_space<vmem>>
    %dma_wait3A_133 = arith.constant 0 : i32
    %dma_wait3A_134 = tpu.memref_slice %arg5[%dma_wait3A_129, %dma_wait3A_133] : memref<8x128xi32, #tpu.memory_space<vmem>> -> memref<1x128xi32, #tpu.memory_space<vmem>>
    %dma_wait3A_135 = tpu.memref_squeeze %dma_wait3A_134 : memref<1x128xi32, #tpu.memory_space<vmem>> -> memref<128xi32, #tpu.memory_space<vmem>>
    %dma_wait3A_136 = arith.constant 0 : i32
    %dma_wait3A_137 = arith.constant 0 : i32
    %dma_wait3A_138 = tpu.memref_slice %arg2[%dma_wait3A_136, %dma_wait3A_137] : memref<8192x32xf32, #tpu.memory_space<hbm>> -> memref<8192x32xf32, #tpu.memory_space<hbm>>
    tpu.wait_indirect_dma semaphore(%arg7 : memref<!tpu.dma_semaphore, #tpu.memory_space<semaphore_mem>>) src(%dma_wait3A_138 : memref<8192x32xf32, #tpu.memory_space<hbm>>) dst(%dma_wait3A_132 : memref<128x32xf32, #tpu.memory_space<vmem>>)
    %dma_wait3A_139 = arith.constant 6 : i32
    %dma_wait3A_140 = arith.constant 768 : i32
    %dma_wait3A_141 = arith.constant 0 : i32
    %dma_wait3A_142 = tpu.memref_slice %arg6[%dma_wait3A_140, %dma_wait3A_141] : memref<1024x32xf32, #tpu.memory_space<vmem>> -> memref<128x32xf32, #tpu.memory_space<vmem>>
    %dma_wait3A_143 = arith.constant 0 : i32
    %dma_wait3A_144 = tpu.memref_slice %arg5[%dma_wait3A_139, %dma_wait3A_143] : memref<8x128xi32, #tpu.memory_space<vmem>> -> memref<1x128xi32, #tpu.memory_space<vmem>>
    %dma_wait3A_145 = tpu.memref_squeeze %dma_wait3A_144 : memref<1x128xi32, #tpu.memory_space<vmem>> -> memref<128xi32, #tpu.memory_space<vmem>>
    %dma_wait3A_146 = arith.constant 0 : i32
    %dma_wait3A_147 = arith.constant 0 : i32
    %dma_wait3A_148 = tpu.memref_slice %arg2[%dma_wait3A_146, %dma_wait3A_147] : memref<8192x32xf32, #tpu.memory_space<hbm>> -> memref<8192x32xf32, #tpu.memory_space<hbm>>
    tpu.wait_indirect_dma semaphore(%arg7 : memref<!tpu.dma_semaphore, #tpu.memory_space<semaphore_mem>>) src(%dma_wait3A_148 : memref<8192x32xf32, #tpu.memory_space<hbm>>) dst(%dma_wait3A_142 : memref<128x32xf32, #tpu.memory_space<vmem>>)
    %dma_wait3A_149 = arith.constant 7 : i32
    %dma_wait3A_150 = arith.constant 896 : i32
    %dma_wait3A_151 = arith.constant 0 : i32
    %dma_wait3A_152 = tpu.memref_slice %arg6[%dma_wait3A_150, %dma_wait3A_151] : memref<1024x32xf32, #tpu.memory_space<vmem>> -> memref<128x32xf32, #tpu.memory_space<vmem>>
    %dma_wait3A_153 = arith.constant 0 : i32
    %dma_wait3A_154 = tpu.memref_slice %arg5[%dma_wait3A_149, %dma_wait3A_153] : memref<8x128xi32, #tpu.memory_space<vmem>> -> memref<1x128xi32, #tpu.memory_space<vmem>>
    %dma_wait3A_155 = tpu.memref_squeeze %dma_wait3A_154 : memref<1x128xi32, #tpu.memory_space<vmem>> -> memref<128xi32, #tpu.memory_space<vmem>>
    %dma_wait3A_156 = arith.constant 0 : i32
    %dma_wait3A_157 = arith.constant 0 : i32
    %dma_wait3A_158 = tpu.memref_slice %arg2[%dma_wait3A_156, %dma_wait3A_157] : memref<8192x32xf32, #tpu.memory_space<hbm>> -> memref<8192x32xf32, #tpu.memory_space<hbm>>
    tpu.wait_indirect_dma semaphore(%arg7 : memref<!tpu.dma_semaphore, #tpu.memory_space<semaphore_mem>>) src(%dma_wait3A_158 : memref<8192x32xf32, #tpu.memory_space<hbm>>) dst(%dma_wait3A_152 : memref<128x32xf32, #tpu.memory_space<vmem>>)
    %mul3A_159 = arith.constant 1024 : i32
    %mul3A_160 = arith.muli %add3A, %mul3A_159 : i32
    "tpu.region"() ({
      %run_scoped3A = tpu.sem_alloc : memref<!tpu.dma_semaphore, #tpu.memory_space<semaphore_mem>>
      %dma_start3A_161 = arith.constant 0 : i32
      %dma_start3A_162 = tpu.memref_slice %arg4[%mul3A_160, %dma_start3A_161] : memref<32768x32xf32, #tpu.memory_space<hbm>> -> memref<1024x32xf32, #tpu.memory_space<hbm>>
      %dma_start3A_163 = arith.constant 0 : i32
      %dma_start3A_164 = tpu.memref_slice %arg4[%mul3A_160, %dma_start3A_163] : memref<32768x32xf32, #tpu.memory_space<hbm>> -> memref<1024x32xf32, #tpu.memory_space<hbm>>
      tpu.enqueue_dma source(%arg6 : memref<1024x32xf32, #tpu.memory_space<vmem>>) target(%dma_start3A_164 : memref<1024x32xf32, #tpu.memory_space<hbm>>) target_semaphore(%run_scoped3A : memref<!tpu.dma_semaphore, #tpu.memory_space<semaphore_mem>>)
      %dma_wait3A_165 = arith.constant 0 : i32
      %dma_wait3A_166 = tpu.memref_slice %arg4[%mul3A_160, %dma_wait3A_165] : memref<32768x32xf32, #tpu.memory_space<hbm>> -> memref<1024x32xf32, #tpu.memory_space<hbm>>
      %dma_wait3A_167 = arith.constant 0 : i32
      %dma_wait3A_168 = tpu.memref_slice %arg4[%mul3A_160, %dma_wait3A_167] : memref<32768x32xf32, #tpu.memory_space<hbm>> -> memref<1024x32xf32, #tpu.memory_space<hbm>>
      tpu.wait_dma2 semaphore(%run_scoped3A : memref<!tpu.dma_semaphore, #tpu.memory_space<semaphore_mem>>) src(%arg6 : memref<1024x32xf32, #tpu.memory_space<vmem>>) dst(%dma_wait3A_168 : memref<1024x32xf32, #tpu.memory_space<hbm>>)
      tpu.yield
    }) : () -> ()
    return
  }
}

module attributes {stable_mosaic.version = 14 : i64} {
  func.func @_argmin_body(%arg0: i32, %arg1: memref<512x32xf32, #tpu.memory_space<vmem>>, %arg2: memref<32x8192xf32, #tpu.memory_space<vmem>>, %arg3: memref<512x1xi32, #tpu.memory_space<vmem>>) attributes {dimension_semantics = [#tpu.dimension_semantics<arbitrary>], iteration_bounds = array<i64: 64>, scalar_prefetch = 0 : i64, scratch_operands = 0 : i64, tpu.core_type = #tpu.core_type<tc>, window_params = [{transform_indices = @transform_0, window_bounds = array<i64: 512, 32>}, {pipeline_mode = #tpu.pipeline_mode<synchronous>, transform_indices = @transform_1, window_bounds = array<i64: 32, 8192>}, {transform_indices = @transform_2, window_bounds = array<i64: 512, 1>}]} {
    %get3A = arith.constant 0 : index
    %get3A_0 = arith.constant 0 : index
    %get3A_1 = vector.load %arg1[%get3A, %get3A_0] : memref<512x32xf32, #tpu.memory_space<vmem>>, vector<512x32xf32>
    %convert_element_type3A = arith.truncf %get3A_1 : vector<512x32xf32> to vector<512x32xbf16>
    %mul3A = arith.mulf %get3A_1, %get3A_1 : vector<512x32xf32>
    %reduce_sum3A = arith.constant dense<0.000000e+00> : vector<512xf32>
    %reduce_sum3A_2 = vector.multi_reduction <add>, %mul3A, %reduce_sum3A [1] : vector<512x32xf32> to vector<512xf32>
    %broadcast_in_dim3A = vector.shape_cast %reduce_sum3A_2 : vector<512xf32> to vector<512x1xf32>
    %broadcast_in_dim3A_3 = arith.constant 0x7F800000 : f32
    %broadcast_in_dim3A_4 = vector.broadcast %broadcast_in_dim3A_3 : f32 to vector<512x1xf32>
    %broadcast_in_dim3A_5 = arith.constant 0 : i32
    %broadcast_in_dim3A_6 = vector.broadcast %broadcast_in_dim3A_5 : i32 to vector<512x1xi32>
    %get3A_7 = arith.constant 0 : index
    %get3A_8 = arith.constant 0 : index
    %get3A_9 = vector.load %arg2[%get3A_7, %get3A_8] : memref<32x8192xf32, #tpu.memory_space<vmem>>, vector<32x2048xf32>
    %mul3A_10 = arith.mulf %get3A_9, %get3A_9 : vector<32x2048xf32>
    %reduce_sum3A_11 = arith.constant dense<0.000000e+00> : vector<2048xf32>
    %reduce_sum3A_12 = vector.multi_reduction <add>, %mul3A_10, %reduce_sum3A_11 [0] : vector<32x2048xf32> to vector<2048xf32>
    %broadcast_in_dim3A_13 = vector.shape_cast %reduce_sum3A_12 : vector<2048xf32> to vector<1x2048xf32>
    %convert_element_type3A_14 = arith.truncf %get3A_9 : vector<32x2048xf32> to vector<32x2048xbf16>
    %dot_general3A = arith.constant dense<0.000000e+00> : vector<512x2048xf32>
    %dot_general3A_15 = tpu.matmul %convert_element_type3A, %convert_element_type3A_14, %dot_general3A {dimension_numbers = #tpu.dot_dimension_numbers<[1], [0], [0], [1], [0, 0, 1, 1], [], []>, transpose_lhs_hint = false} : vector<512x32xbf16>, vector<32x2048xbf16>, vector<512x2048xf32> -> vector<512x2048xf32>
    %mul3A_16 = arith.constant 2.000000e+00 : f32
    %mul3A_17 = vector.broadcast %mul3A_16 : f32 to vector<512x2048xf32>
    %mul3A_18 = arith.mulf %mul3A_17, %dot_general3A_15 : vector<512x2048xf32>
    %sub3A = vector.broadcast %broadcast_in_dim3A : vector<512x1xf32> to vector<512x2048xf32>
    %sub3A_19 = arith.subf %sub3A, %mul3A_18 : vector<512x2048xf32>
    %add3A = vector.broadcast %broadcast_in_dim3A_13 : vector<1x2048xf32> to vector<512x2048xf32>
    %add3A_20 = arith.addf %sub3A_19, %add3A : vector<512x2048xf32>
    %reduce_min3A = arith.constant dense<0x7F800000> : vector<512xf32>
    %reduce_min3A_21 = vector.multi_reduction <minimumf>, %add3A_20, %reduce_min3A [1] : vector<512x2048xf32> to vector<512xf32>
    %broadcast_in_dim3A_22 = vector.shape_cast %reduce_min3A_21 : vector<512xf32> to vector<512x1xf32>
    %iota3A = tpu.iota {dimensions = array<i32: 1>} : vector<512x2048xi32>
    %eq3A = vector.broadcast %broadcast_in_dim3A_22 : vector<512x1xf32> to vector<512x2048xf32>
    %eq3A_23 = arith.cmpf oeq, %add3A_20, %eq3A : vector<512x2048xf32>
    %add3A_24 = arith.constant 0 : i32
    %add3A_25 = vector.broadcast %add3A_24 : i32 to vector<512x2048xi32>
    %add3A_26 = arith.addi %iota3A, %add3A_25 : vector<512x2048xi32>
    %jit3A = arith.constant 1073741824 : i32
    %broadcast_in_dim3A_27 = vector.broadcast %jit3A : i32 to vector<512x2048xi32>
    %select_n3A = arith.select %eq3A_23, %add3A_26, %broadcast_in_dim3A_27 : vector<512x2048xi1>, vector<512x2048xi32>
    %reduce_min3A_28 = arith.constant dense<2147483647> : vector<512xi32>
    %reduce_min3A_29 = vector.multi_reduction <minsi>, %select_n3A, %reduce_min3A_28 [1] : vector<512x2048xi32> to vector<512xi32>
    %broadcast_in_dim3A_30 = vector.shape_cast %reduce_min3A_29 : vector<512xi32> to vector<512x1xi32>
    %lt3A = arith.cmpf olt, %broadcast_in_dim3A_22, %broadcast_in_dim3A_4 : vector<512x1xf32>
    %select_n3A_31 = arith.select %lt3A, %broadcast_in_dim3A_22, %broadcast_in_dim3A_4 : vector<512x1xi1>, vector<512x1xf32>
    %select_n3A_32 = arith.select %lt3A, %broadcast_in_dim3A_30, %broadcast_in_dim3A_6 : vector<512x1xi1>, vector<512x1xi32>
    %get3A_33 = arith.constant 0 : index
    %get3A_34 = arith.constant 2048 : index
    %get3A_35 = vector.load %arg2[%get3A_33, %get3A_34] : memref<32x8192xf32, #tpu.memory_space<vmem>>, vector<32x2048xf32>
    %mul3A_36 = arith.mulf %get3A_35, %get3A_35 : vector<32x2048xf32>
    %reduce_sum3A_37 = arith.constant dense<0.000000e+00> : vector<2048xf32>
    %reduce_sum3A_38 = vector.multi_reduction <add>, %mul3A_36, %reduce_sum3A_37 [0] : vector<32x2048xf32> to vector<2048xf32>
    %broadcast_in_dim3A_39 = vector.shape_cast %reduce_sum3A_38 : vector<2048xf32> to vector<1x2048xf32>
    %convert_element_type3A_40 = arith.truncf %get3A_35 : vector<32x2048xf32> to vector<32x2048xbf16>
    %dot_general3A_41 = arith.constant dense<0.000000e+00> : vector<512x2048xf32>
    %dot_general3A_42 = tpu.matmul %convert_element_type3A, %convert_element_type3A_40, %dot_general3A_41 {dimension_numbers = #tpu.dot_dimension_numbers<[1], [0], [0], [1], [0, 0, 1, 1], [], []>, transpose_lhs_hint = false} : vector<512x32xbf16>, vector<32x2048xbf16>, vector<512x2048xf32> -> vector<512x2048xf32>
    %mul3A_43 = arith.constant 2.000000e+00 : f32
    %mul3A_44 = vector.broadcast %mul3A_43 : f32 to vector<512x2048xf32>
    %mul3A_45 = arith.mulf %mul3A_44, %dot_general3A_42 : vector<512x2048xf32>
    %sub3A_46 = vector.broadcast %broadcast_in_dim3A : vector<512x1xf32> to vector<512x2048xf32>
    %sub3A_47 = arith.subf %sub3A_46, %mul3A_45 : vector<512x2048xf32>
    %add3A_48 = vector.broadcast %broadcast_in_dim3A_39 : vector<1x2048xf32> to vector<512x2048xf32>
    %add3A_49 = arith.addf %sub3A_47, %add3A_48 : vector<512x2048xf32>
    %reduce_min3A_50 = arith.constant dense<0x7F800000> : vector<512xf32>
    %reduce_min3A_51 = vector.multi_reduction <minimumf>, %add3A_49, %reduce_min3A_50 [1] : vector<512x2048xf32> to vector<512xf32>
    %broadcast_in_dim3A_52 = vector.shape_cast %reduce_min3A_51 : vector<512xf32> to vector<512x1xf32>
    %iota3A_53 = tpu.iota {dimensions = array<i32: 1>} : vector<512x2048xi32>
    %eq3A_54 = vector.broadcast %broadcast_in_dim3A_52 : vector<512x1xf32> to vector<512x2048xf32>
    %eq3A_55 = arith.cmpf oeq, %add3A_49, %eq3A_54 : vector<512x2048xf32>
    %add3A_56 = arith.constant 2048 : i32
    %add3A_57 = vector.broadcast %add3A_56 : i32 to vector<512x2048xi32>
    %add3A_58 = arith.addi %iota3A_53, %add3A_57 : vector<512x2048xi32>
    %jit3A_59 = arith.constant 1073741824 : i32
    %broadcast_in_dim3A_60 = vector.broadcast %jit3A_59 : i32 to vector<512x2048xi32>
    %select_n3A_61 = arith.select %eq3A_55, %add3A_58, %broadcast_in_dim3A_60 : vector<512x2048xi1>, vector<512x2048xi32>
    %reduce_min3A_62 = arith.constant dense<2147483647> : vector<512xi32>
    %reduce_min3A_63 = vector.multi_reduction <minsi>, %select_n3A_61, %reduce_min3A_62 [1] : vector<512x2048xi32> to vector<512xi32>
    %broadcast_in_dim3A_64 = vector.shape_cast %reduce_min3A_63 : vector<512xi32> to vector<512x1xi32>
    %lt3A_65 = arith.cmpf olt, %broadcast_in_dim3A_52, %select_n3A_31 : vector<512x1xf32>
    %select_n3A_66 = arith.select %lt3A_65, %broadcast_in_dim3A_52, %select_n3A_31 : vector<512x1xi1>, vector<512x1xf32>
    %select_n3A_67 = arith.select %lt3A_65, %broadcast_in_dim3A_64, %select_n3A_32 : vector<512x1xi1>, vector<512x1xi32>
    %broadcast_in_dim3A_68 = arith.constant 0x7F800000 : f32
    %broadcast_in_dim3A_69 = vector.broadcast %broadcast_in_dim3A_68 : f32 to vector<512x1xf32>
    %broadcast_in_dim3A_70 = arith.constant 0 : i32
    %broadcast_in_dim3A_71 = vector.broadcast %broadcast_in_dim3A_70 : i32 to vector<512x1xi32>
    %get3A_72 = arith.constant 0 : index
    %get3A_73 = arith.constant 4096 : index
    %get3A_74 = vector.load %arg2[%get3A_72, %get3A_73] : memref<32x8192xf32, #tpu.memory_space<vmem>>, vector<32x2048xf32>
    %mul3A_75 = arith.mulf %get3A_74, %get3A_74 : vector<32x2048xf32>
    %reduce_sum3A_76 = arith.constant dense<0.000000e+00> : vector<2048xf32>
    %reduce_sum3A_77 = vector.multi_reduction <add>, %mul3A_75, %reduce_sum3A_76 [0] : vector<32x2048xf32> to vector<2048xf32>
    %broadcast_in_dim3A_78 = vector.shape_cast %reduce_sum3A_77 : vector<2048xf32> to vector<1x2048xf32>
    %convert_element_type3A_79 = arith.truncf %get3A_74 : vector<32x2048xf32> to vector<32x2048xbf16>
    %dot_general3A_80 = arith.constant dense<0.000000e+00> : vector<512x2048xf32>
    %dot_general3A_81 = tpu.matmul %convert_element_type3A, %convert_element_type3A_79, %dot_general3A_80 {dimension_numbers = #tpu.dot_dimension_numbers<[1], [0], [0], [1], [0, 0, 1, 1], [], []>, transpose_lhs_hint = false} : vector<512x32xbf16>, vector<32x2048xbf16>, vector<512x2048xf32> -> vector<512x2048xf32>
    %mul3A_82 = arith.constant 2.000000e+00 : f32
    %mul3A_83 = vector.broadcast %mul3A_82 : f32 to vector<512x2048xf32>
    %mul3A_84 = arith.mulf %mul3A_83, %dot_general3A_81 : vector<512x2048xf32>
    %sub3A_85 = vector.broadcast %broadcast_in_dim3A : vector<512x1xf32> to vector<512x2048xf32>
    %sub3A_86 = arith.subf %sub3A_85, %mul3A_84 : vector<512x2048xf32>
    %add3A_87 = vector.broadcast %broadcast_in_dim3A_78 : vector<1x2048xf32> to vector<512x2048xf32>
    %add3A_88 = arith.addf %sub3A_86, %add3A_87 : vector<512x2048xf32>
    %reduce_min3A_89 = arith.constant dense<0x7F800000> : vector<512xf32>
    %reduce_min3A_90 = vector.multi_reduction <minimumf>, %add3A_88, %reduce_min3A_89 [1] : vector<512x2048xf32> to vector<512xf32>
    %broadcast_in_dim3A_91 = vector.shape_cast %reduce_min3A_90 : vector<512xf32> to vector<512x1xf32>
    %iota3A_92 = tpu.iota {dimensions = array<i32: 1>} : vector<512x2048xi32>
    %eq3A_93 = vector.broadcast %broadcast_in_dim3A_91 : vector<512x1xf32> to vector<512x2048xf32>
    %eq3A_94 = arith.cmpf oeq, %add3A_88, %eq3A_93 : vector<512x2048xf32>
    %add3A_95 = arith.constant 4096 : i32
    %add3A_96 = vector.broadcast %add3A_95 : i32 to vector<512x2048xi32>
    %add3A_97 = arith.addi %iota3A_92, %add3A_96 : vector<512x2048xi32>
    %jit3A_98 = arith.constant 1073741824 : i32
    %broadcast_in_dim3A_99 = vector.broadcast %jit3A_98 : i32 to vector<512x2048xi32>
    %select_n3A_100 = arith.select %eq3A_94, %add3A_97, %broadcast_in_dim3A_99 : vector<512x2048xi1>, vector<512x2048xi32>
    %reduce_min3A_101 = arith.constant dense<2147483647> : vector<512xi32>
    %reduce_min3A_102 = vector.multi_reduction <minsi>, %select_n3A_100, %reduce_min3A_101 [1] : vector<512x2048xi32> to vector<512xi32>
    %broadcast_in_dim3A_103 = vector.shape_cast %reduce_min3A_102 : vector<512xi32> to vector<512x1xi32>
    %lt3A_104 = arith.cmpf olt, %broadcast_in_dim3A_91, %broadcast_in_dim3A_69 : vector<512x1xf32>
    %select_n3A_105 = arith.select %lt3A_104, %broadcast_in_dim3A_91, %broadcast_in_dim3A_69 : vector<512x1xi1>, vector<512x1xf32>
    %select_n3A_106 = arith.select %lt3A_104, %broadcast_in_dim3A_103, %broadcast_in_dim3A_71 : vector<512x1xi1>, vector<512x1xi32>
    %get3A_107 = arith.constant 0 : index
    %get3A_108 = arith.constant 6144 : index
    %get3A_109 = vector.load %arg2[%get3A_107, %get3A_108] : memref<32x8192xf32, #tpu.memory_space<vmem>>, vector<32x2048xf32>
    %mul3A_110 = arith.mulf %get3A_109, %get3A_109 : vector<32x2048xf32>
    %reduce_sum3A_111 = arith.constant dense<0.000000e+00> : vector<2048xf32>
    %reduce_sum3A_112 = vector.multi_reduction <add>, %mul3A_110, %reduce_sum3A_111 [0] : vector<32x2048xf32> to vector<2048xf32>
    %broadcast_in_dim3A_113 = vector.shape_cast %reduce_sum3A_112 : vector<2048xf32> to vector<1x2048xf32>
    %convert_element_type3A_114 = arith.truncf %get3A_109 : vector<32x2048xf32> to vector<32x2048xbf16>
    %dot_general3A_115 = arith.constant dense<0.000000e+00> : vector<512x2048xf32>
    %dot_general3A_116 = tpu.matmul %convert_element_type3A, %convert_element_type3A_114, %dot_general3A_115 {dimension_numbers = #tpu.dot_dimension_numbers<[1], [0], [0], [1], [0, 0, 1, 1], [], []>, transpose_lhs_hint = false} : vector<512x32xbf16>, vector<32x2048xbf16>, vector<512x2048xf32> -> vector<512x2048xf32>
    %mul3A_117 = arith.constant 2.000000e+00 : f32
    %mul3A_118 = vector.broadcast %mul3A_117 : f32 to vector<512x2048xf32>
    %mul3A_119 = arith.mulf %mul3A_118, %dot_general3A_116 : vector<512x2048xf32>
    %sub3A_120 = vector.broadcast %broadcast_in_dim3A : vector<512x1xf32> to vector<512x2048xf32>
    %sub3A_121 = arith.subf %sub3A_120, %mul3A_119 : vector<512x2048xf32>
    %add3A_122 = vector.broadcast %broadcast_in_dim3A_113 : vector<1x2048xf32> to vector<512x2048xf32>
    %add3A_123 = arith.addf %sub3A_121, %add3A_122 : vector<512x2048xf32>
    %reduce_min3A_124 = arith.constant dense<0x7F800000> : vector<512xf32>
    %reduce_min3A_125 = vector.multi_reduction <minimumf>, %add3A_123, %reduce_min3A_124 [1] : vector<512x2048xf32> to vector<512xf32>
    %broadcast_in_dim3A_126 = vector.shape_cast %reduce_min3A_125 : vector<512xf32> to vector<512x1xf32>
    %iota3A_127 = tpu.iota {dimensions = array<i32: 1>} : vector<512x2048xi32>
    %eq3A_128 = vector.broadcast %broadcast_in_dim3A_126 : vector<512x1xf32> to vector<512x2048xf32>
    %eq3A_129 = arith.cmpf oeq, %add3A_123, %eq3A_128 : vector<512x2048xf32>
    %add3A_130 = arith.constant 6144 : i32
    %add3A_131 = vector.broadcast %add3A_130 : i32 to vector<512x2048xi32>
    %add3A_132 = arith.addi %iota3A_127, %add3A_131 : vector<512x2048xi32>
    %jit3A_133 = arith.constant 1073741824 : i32
    %broadcast_in_dim3A_134 = vector.broadcast %jit3A_133 : i32 to vector<512x2048xi32>
    %select_n3A_135 = arith.select %eq3A_129, %add3A_132, %broadcast_in_dim3A_134 : vector<512x2048xi1>, vector<512x2048xi32>
    %reduce_min3A_136 = arith.constant dense<2147483647> : vector<512xi32>
    %reduce_min3A_137 = vector.multi_reduction <minsi>, %select_n3A_135, %reduce_min3A_136 [1] : vector<512x2048xi32> to vector<512xi32>
    %broadcast_in_dim3A_138 = vector.shape_cast %reduce_min3A_137 : vector<512xi32> to vector<512x1xi32>
    %lt3A_139 = arith.cmpf olt, %broadcast_in_dim3A_126, %select_n3A_105 : vector<512x1xf32>
    %select_n3A_140 = arith.select %lt3A_139, %broadcast_in_dim3A_126, %select_n3A_105 : vector<512x1xi1>, vector<512x1xf32>
    %select_n3A_141 = arith.select %lt3A_139, %broadcast_in_dim3A_138, %select_n3A_106 : vector<512x1xi1>, vector<512x1xi32>
    %convert_element_type3A_142 = arith.truncf %select_n3A_66 : vector<512x1xf32> to vector<512x1xbf16>
    %convert_element_type3A_143 = arith.extf %convert_element_type3A_142 : vector<512x1xbf16> to vector<512x1xf32>
    %lt3A_144 = arith.cmpf olt, %select_n3A_140, %convert_element_type3A_143 : vector<512x1xf32>
    %select_n3A_145 = arith.select %lt3A_144, %select_n3A_141, %select_n3A_67 : vector<512x1xi1>, vector<512x1xi32>
    %swap3A = arith.constant 0 : index
    %swap3A_146 = arith.constant 0 : index
    %swap3A_147 = vector.load %arg3[%swap3A, %swap3A_146] : memref<512x1xi32, #tpu.memory_space<vmem>>, vector<512x1xi32>
    tpu.vector_store %arg3[%swap3A, %swap3A_146], %select_n3A_145 {strides = array<i32>} : memref<512x1xi32, #tpu.memory_space<vmem>>, vector<512x1xi32>,
    return
  }
  func.func @transform_0(%arg0: i32) -> (i32, i32) {
    %c0_i32 = arith.constant 0 : i32
    %c0_i32_0 = arith.constant 0 : i32
    return %arg0, %c0_i32 : i32, i32
  }
  func.func @transform_1(%arg0: i32) -> (i32, i32) {
    %c0_i32 = arith.constant 0 : i32
    %c0_i32_0 = arith.constant 0 : i32
    %c0_i32_1 = arith.constant 0 : i32
    return %c0_i32, %c0_i32_0 : i32, i32
  }
  func.func @transform_2(%arg0: i32) -> (i32, i32) {
    %c0_i32 = arith.constant 0 : i32
    %c0_i32_0 = arith.constant 0 : i32
    return %arg0, %c0_i32 : i32, i32
  }
}

</mosaic_0001>

<sc_bundles>
// kernel: kernel.4.cloned.1.call-start
scs
__scs_entry_jumppad:
0x0: {  	(pc) =	sbr.rel $0x88, $3  }
0x1: {  	(tag) =	ssettag $0x0;
	lr =	simm.s32 $0x1  }
0x2: {  	[smem:$0x3F9F] =	sst lr;
	_ =	strace $0xD0000000  }
0x3: {  	_ = 	snop  }
0x4: {  	_ = 	snop  }
0x5: {  	_ = 	snop  }
0x6: {  	_ = 	snop  }
0x7: {  	_ = 	snop  }
__scs_overlays_trampoline_lowered:
0x8: {  	[smem:$0x3FAE] =	sst s0  }
0x9: {  	[smem:$0x3FAF] =	sst s1  }
0xa: {  	[smem:$0x3FB0] =	sst s2  }
0xb: {  	[smem:$0x3FB1] =	sst s3  }
0xc: {  	[smem:$0x3FB2] =	sst s4  }
0xd: {  	[smem:$0x3FB3] =	sst s5  }
0xe: {  	[smem:$0x3FB4] =	sst s6  }
0xf: {  	[smem:$0x3FB5] =	sst s7  }
0x10: {  	[smem:$0x3FB6] =	sst s8  }
0x11: {  	[smem:$0x3FB7] =	sst s9;
	s0 =	simm.s32 @!p0 $0x0  }
0x12: {  	s1 =	sld [smem:$0x3F9D];
	s0 =	simm.s32 @p0 $0x1  }
0x13: {  	[smem:$0x3FB8] =	sst s0;
	s0 =	simm.s32 @!p1 $0x0  }
0x14: {  	s2 =	sld [smem:$0x3F9C];
	s0 =	simm.s32 @p1 $0x1  }
0x15: {  	[smem:$0x3FB9] =	sst s0;
	s0 =	simm.s32 @!p2 $0x0  }
0x16: {  	s3 =	sld [smem:$0x3FDB];
	s0 =	simm.s32 @p2 $0x1  }
0x17: {  	s4 =	simm.s32 $0x1BF5;
	[smem:$0x3FBB] =	sst s0  }
0x18: {  	s0 =	sld [smem:$0x3F9E];
	_ =	swait.ge [sflag:s4], $0x0  }
0x19: {  	s7 =	sld [smem:$0x3F9F]  }
0x1a: {  	s8 =	sadd.s32 $0xFFFFE003, lr  }
0x1b: {  	s9 =	sadd.s32 $0xFFFFFEF7, lr;
	s5 =	simm.s32 $0xFFFFFFFF;
	p2 =	slt.u32 s8, $0xFFFFF086  }
0x1c: {  	p1 =	slt.u32 s9, $0xF7A;
	s5 =	simm.s32 @!p2 $0x0  }
0x1d: {  	s5 =	simm.s32 @p1 $0x1;
	p0 =	seq.s32 s7, s2  }
0x1e: {  	s7 =	smul.u32 @!p0 $0xF7A, s2;
	p2 =	seq.s32 @!p0 s5, $0x0  }
0x1f: {  	s9 =	smul.u32 $0xF7A, s1;
	s8 =	simm.s32 @!p0 $0x1BF5;
	p2 =	por !p2, p0  }
0x20: {  	[sflag:s8] =	ssyncset.s32 @!p0 $0xFFFFF086;
	s6 =	sadd.s32 @!p0 s3, s7;
	s7 =	simm.s32 @!p0 $0x108  }
0x21: {  	s3 =	sadd.s32 s3, s9;
	s6 =	sadd.s32 @!p0 $0x88, s6;
	s7 =	simm.s32 @p2 $0x1082  }
0x22: {  	[simem:s7], [sflag:s8] =	dma.local @!p0 [hbm:s6], $0xF7A  }
0x23: {  	s9 =	sor.u32 $0xD0000000, s2;
	s6 =	simm.s32 $0x108;
	_ =	swait.ge @!p0 [sflag:s8], $0x0  }
0x24: {  	s3 =	sadd.s32 $0x88, s3;
	s6 =	simm.s32 @!p1 $0x1082;
	[sflag:s4] =	ssyncset.s32 $0xFFFFF086  }
0x25: {  	[simem:s6], [sflag:s4] =	dma.local [hbm:s3], $0xF7A  }
0x26: {  	[smem:$0x3F9F] =	sst s1;
	(tag) =	ssettag s2;
	_ =	strace s9  }
0x27: {  	s1 =	sld [smem:$0x3FAF]  }
0x28: {  	s2 =	sld [smem:$0x3FB0]  }
0x29: {  	s4 =	sld [smem:$0x3FB2]  }
0x2a: {  	p0 =	seq.s32 s5, $0x0;
	s5 =	sld [smem:$0x3FB3]  }
0x2b: {  	s6 =	sld [smem:$0x3FB4]  }
0x2c: {  	s7 =	sld [smem:$0x3FB5]  }
0x2d: {  	s3 =	simm.s32 $0x108;
	s8 =	sld [smem:$0x3FB6]  }
0x2e: {  	s3 =	simm.s32 @!p0 $0x1082;
	s9 =	sld [smem:$0x3FB7]  }
0x2f: {  	lr =	sadd.s32 s0, s3;
	s0 =	sld [smem:$0x3FAE]  }
0x30: {  	s3 =	sld [smem:$0x3FB1]  }
0x31: {  	[smem:$0x3FBA] =	sst s10  }
0x32: {  	s10 =	sld [smem:$0x3FB8];
	_ =	sdelay $0x3  }
0x33: {  	p0 =	seq.s32 s10, $0x1;
	s10 =	sld [smem:$0x3FBA];
	_ =	sdelay $0x3  }
0x34: {  	[smem:$0x3FBA] =	sst s10  }
0x35: {  	s10 =	sld [smem:$0x3FB9];
	_ =	sdelay $0x3  }
0x36: {  	p1 =	seq.s32 s10, $0x1;
	s10 =	sld [smem:$0x3FBA];
	_ =	sdelay $0x3  }
0x37: {  	[smem:$0x3FBA] =	sst s10  }
0x38: {  	s10 =	sld [smem:$0x3FBB]  }
0x39: {  	_ = 	snop;
	(pc) =	sbr.ind lr, $3  }
0x3a: {  	_ = 	snop  }
0x3b: {  	_ = 	snop  }
0x3c: {  	p2 =	seq.s32 s10, $0x1;
	s10 =	sld [smem:$0x3FBA]  }
0x3d: {  	_ =	shalt  }
0x3e: {  	_ =	shalt  }
0x3f: {  	_ =	shalt  }
0x40: {  	_ =	shalt  }
0x41: {  	_ =	shalt  }
0x42: {  	_ =	shalt  }
0x43: {  	_ =	shalt  }
0x44: {  	_ =	shalt  }
0x45: {  	_ =	shalt  }
0x46: {  	_ =	shalt  }
0x47: {  	_ =	shalt  }
0x48: {  	_ =	shalt  }
0x49: {  	_ =	shalt  }
0x4a: {  	_ =	shalt  }
0x4b: {  	_ =	shalt  }
0x4c: {  	_ =	shalt  }
0x4d: {  	_ =	shalt  }
0x4e: {  	_ =	shalt  }
0x4f: {  	_ =	shalt  }
0x50: {  	_ =	shalt  }
0x51: {  	_ =	shalt  }
0x52: {  	_ =	shalt  }
0x53: {  	_ =	shalt  }
0x54: {  	_ =	shalt  }
0x55: {  	_ =	shalt  }
0x56: {  	_ =	shalt  }
0x57: {  	_ =	shalt  }
0x58: {  	_ =	shalt  }
0x59: {  	_ =	shalt  }
0x5a: {  	_ =	shalt  }
0x5b: {  	_ =	shalt  }
0x5c: {  	_ =	shalt  }
0x5d: {  	_ =	shalt  }
0x5e: {  	_ =	shalt  }
0x5f: {  	_ =	shalt  }
0x60: {  	_ =	shalt  }
0x61: {  	_ =	shalt  }
0x62: {  	_ =	shalt  }
0x63: {  	_ =	shalt  }
0x64: {  	_ =	shalt  }
0x65: {  	_ =	shalt  }
0x66: {  	_ =	shalt  }
0x67: {  	_ =	shalt  }
0x68: {  	_ =	shalt  }
0x69: {  	_ =	shalt  }
0x6a: {  	_ =	shalt  }
0x6b: {  	_ =	shalt  }
0x6c: {  	_ =	shalt  }
0x6d: {  	_ =	shalt  }
0x6e: {  	_ =	shalt  }
0x6f: {  	_ =	shalt  }
0x70: {  	_ =	shalt  }
0x71: {  	_ =	shalt  }
0x72: {  	_ =	shalt  }
0x73: {  	_ =	shalt  }
0x74: {  	_ =	shalt  }
0x75: {  	_ =	shalt  }
0x76: {  	_ =	shalt  }
0x77: {  	_ =	shalt  }
0x78: {  	_ =	shalt  }
0x79: {  	_ =	shalt  }
0x7a: {  	_ =	shalt  }
0x7b: {  	_ =	shalt  }
0x7c: {  	_ =	shalt  }
0x7d: {  	_ =	shalt  }
0x7e: {  	_ =	shalt  }
0x7f: {  	_ =	shalt  }
0x80: {  	_ =	shalt  }
0x81: {  	_ =	shalt  }
0x82: {  	_ =	shalt  }
0x83: {  	_ =	shalt  }
0x84: {  	_ =	shalt  }
0x85: {  	_ =	shalt  }
0x86: {  	_ =	shalt  }
0x87: {  	_ =	shalt  }
.Lfunc_end0:
.L_simem_size_0:
called_computation_lowered:
.L_overlay_start_0:
0x88: {  	s2 =	sld [smem:$0x3FD9]  }
0x89: {  	s3 =	sld [smem:$0x3FFE];
	_ =	sdelay $0x1  }
0x8a: {  	s1 =	srdreg.scid  }
0x8b: {  	s0 =	sand.u32 $0x1, s1  }
0x8c: {  	s17 =	sshll.u32 s0, $0xA;
	s2 =	sadd.s32 s3, s2  }
0x8d: {  	s2 =	sadd.s32 s2, s17  }
0x8e: {  	[smem:$0x3FC6] =	sst s2  }
0x8f: {  	_ = 	snop  }
0x90: {  	s2 =	sld [smem:$0x3FD0];
	(tm) =	ssettm $0x1  }
0x91: {  	s18 =	sld [smem:$0x3FFB];
	_ =	sdelay $0x3  }
0x92: {  	_ =	strace s18  }
0x93: {  	s3 =	sld [smem:$0x3FFC];
	_ =	sdelay $0x3  }
0x94: {  	_ =	strace s3  }
0x95: {  	s3 =	sld [smem:$0x3FFD];
	_ =	sdelay $0x3  }
0x96: {  	_ =	strace s3  }
0x97: {  	_ =	strace $0x8FFFFFFF  }
0x98: {  	s19 =	sld [smem:$0x3FDB];
	_ =	sdelay $0x1  }
0x99: {  	s4 =	simm.s32 $_scs_section_size  }
0x9a: {  	s5 =	simm.s32 $_size__tile_overlayer_lowered;
	s6 =	simm.s32 $_tile_overlayer_lowered  }
0x9b: {  	s22 =	simm.s32 $0x1BFF;
	s21 =	sshll.u32 s6, $0x1;
	s3 =	sadd.s32 s4, s19  }
0x9c: {  	s7 =	simm.s32 $0x0;
	s20 =	sshll.u32 s5, $0x1;
	s5 =	sadd.s32 s21, s3  }
0x9d: {  	[timem:s7], [sflag:s22] =	dma.local [hbm:s5], s20  }
0x9e: {  	_ =	swait.ge [sflag:s22], s20  }
0x9f: {  	s4 =	ssub.s32 $0x0, s20;
	[sflag:s22] =	ssyncset.done $0x0  }
0xa0: {  	[sflag:s22] =	ssyncadd.s32 s4;
	_ =	sdelay $0x1  }
0xa1: {  	s23 =	simm.s32 $0x1B8B  }
0xa2: {  	_ =	swait.ge [sflag:s23], $0x1  }
0xa3: {  	[sflag:s23] =	ssyncset.done $0x0  }
0xa4: {  	s25 =	simm.s32 $0x1B8E;
	s24 =	sld [smem:$0x3FFE];
	[sflag:s23] =	ssyncadd.s32 $0xFFFFFFFF  }
0xa5: {  	s26 =	simm.s32 $execute0_lowered;
	[smem:$0x3FD2] =	sst s25  }
0xa6: {  	s5 =	sshll.u32 s26, $0x1;
	_ =	strace $0x80000046;
	[dreg:$0x1] =	wrdreg $0xFFFFFFFF  }
0xa7: {  	s28 =	simm.s32 $_size_execute0_lowered;
	s3 =	sadd.s32 s3, s5;
	[dreg:$0x0] =	wrdreg $0x0  }
0xa8: {  	s5 =	sshll.u32 s28, $0x1;
	[dreg:$0x2] =	wrdreg s3  }
0xa9: {  	[dreg:$0x3] =	wrdreg s5  }
0xaa: {  	[dreg:$0x4] =	wrdreg $0xC0  }
0xab: {  	_ =	task [dreg:s7], $0x5FFFF  }
0xac: {  	[dreg:$0x1] =	wrdreg $0xFFFFFFFF  }
0xad: {  	[dreg:$0x0] =	wrdreg $0x60  }
0xae: {  	[dreg:$0x2] =	wrdreg s24  }
0xaf: {  	[dreg:$0x3] =	wrdreg s2  }
0xb0: {  	[dreg:$0x4] =	wrdreg $0x9  }
0xb1: {  	_ =	task.clear_ibuf [dreg:s7], $0x5FFFF;
	_ =	strace $0x90000046  }
0xb2: {  	s29 =	simm.s32 $0x9;
	_ =	strace $0x80000048  }
0xb3: {  	_ =	swait.ge [sflag:s29], $0x1  }
0xb4: {  	[sflag:s29] =	ssyncadd.s32 $0xFFFFFFFF  }
0xb5: {  	_ =	strace $0x90000048  }
0xb6: {  	_ =	sfence  }
0xb7: {  	s30 =	sld [smem:$0x0];
	_ =	sdelay $0x2  }
0xb8: {  	s31 =	sshll.u32 s1, $0xD;
	s1 =	sshrl.u32 s1, $0x2  }
0xb9: {  	s3 =	sand.u32 $0x4000, s31;
	s1 =	sadd.s32 s1, s30  }
0xba: {  	s0 =	sor.u32 s3, s0;
	s1 =	sshll.u32 s1, $0x11  }
0xbb: {  	s0 =	sor.u32 s1, s0  }
0xbc: {  	s0 =	sadd.s32 $0x8F2B, s0  }
0xbd: {  	[sflag:s0] =	ssyncadd.remote.s32 $0x1  }
0xbe: {  	_ =	sfence.sel $0xFFFF  }
0xbf: {  	[dreg:$0x0] =	wrdreg $0xFFFFFFFF;
	(pc) =	sbr.abs _section_cstart, $3  }
0xc0: {  	[dreg:$0x1] =	wrdreg $0xFFFFFFFF  }
0xc1: {  	_ =	task.clear_ibuf [dreg:s7], $0x2FFFF;
	_ =	strace $0x9FFFFFFF  }
0xc2: {  	(tm) =	ssettm $0x7FFFFFFF  }
0xc3: {  	_ =	shalt  }
tec
execute0_lowered:
.L_overlay_start_1:
0x0: {  	(tag) =	ssettag $0x1  }
0x1: {  	s1 =	srdreg.scid  }
0x2: {  	s0 =	stileid.u32;
	s23 =	sand.u32 $0x1, s1  }
0x3: {  	s5 =	rddreg [dreg:$0x0];
	s31 =	sshll.u32 s0, $0xB;
	s2 =	sshll.u32 s23, $0xA  }
0x4: {  	s22 =	rddreg [dreg:$0x1];
	s24 =	sor.u32 s2, s31  }
0x5: {  	s1 =	rddreg [dreg:$0x2];
	s2 =	simm.s32 $0x0;
	s3 =	sshrl.u32 s24, $0x3  }
0x6: {  	[smem:$0x7FF] =	sst s2;
	s3 =	sadd.s32 s3, s5  }
0x7: {  	_ =	strace $0x80000047;
	s4 =	sadd.s32 $0x200, s3;
	s3 =	simm.s32 $0x2  }
0x8: {  	[tilespmem:s2], [sflag:$0x2] =	stream.linear.gather [hbm4b:s4+s2], $0x400, $0x38;
	[tilespmem:$0x8400] =	vst v63  }
0x9: {  	_ =	swait.ge [sflag:s3], $0x400  }
0xa: {  	s6 =	simm.s32 $0x80;
	[sflag:s3] =	ssyncset.done $0x0  }
0xb: {  	s7 =	simm.s32 $0x400;
	s5 =	sadd.s32 $0x80200, s5;
	[sflag:s3] =	ssyncadd.s32 $0xFFFFFC00  }
0xc: {  	[tilespmem:s7], [sflag:$0x1] =	stream.indirect.gather [hbm4b:s5+s6], $0x20, s2, s6, $0xb8;
	[tilespmem:$0x8400] =	vst v63  }
0xd: {  	s8 =	simm.s32 $0x1400  }
0xe: {  	[tilespmem:s8], [sflag:$0x1] =	stream.indirect.gather [hbm4b:s5+s6], $0x20, s6, s6, $0xb8;
	[tilespmem:$0x8400] =	vst v63  }
0xf: {  	s9 =	simm.s32 $0x100;
	s10 =	simm.s32 $0x2400  }
0x10: {  	[tilespmem:s10], [sflag:$0x1] =	stream.indirect.gather [hbm4b:s5+s6], $0x20, s9, s6, $0xb8;
	[tilespmem:$0x8400] =	vst v63  }
0x11: {  	s11 =	simm.s32 $0x180;
	s12 =	simm.s32 $0x3400  }
0x12: {  	[tilespmem:s12], [sflag:$0x1] =	stream.indirect.gather [hbm4b:s5+s6], $0x20, s11, s6, $0xb8;
	[tilespmem:$0x8400] =	vst v63  }
0x13: {  	s13 =	simm.s32 $0x200;
	s14 =	simm.s32 $0x4400  }
0x14: {  	[tilespmem:s14], [sflag:$0x1] =	stream.indirect.gather [hbm4b:s5+s6], $0x20, s13, s6, $0xb8;
	[tilespmem:$0x8400] =	vst v63  }
0x15: {  	s15 =	simm.s32 $0x280;
	s16 =	simm.s32 $0x5400  }
0x16: {  	[tilespmem:s16], [sflag:$0x1] =	stream.indirect.gather [hbm4b:s5+s6], $0x20, s15, s6, $0xb8;
	[tilespmem:$0x8400] =	vst v63  }
0x17: {  	s17 =	simm.s32 $0x300;
	s18 =	simm.s32 $0x6400  }
0x18: {  	[tilespmem:s18], [sflag:$0x1] =	stream.indirect.gather [hbm4b:s5+s6], $0x20, s17, s6, $0xb8;
	[tilespmem:$0x8400] =	vst v63  }
0x19: {  	s19 =	simm.s32 $0x380;
	s20 =	simm.s32 $0x7400;
	s21 =	simm.s32 $0x1  }
0x1a: {  	[tilespmem:s20], [sflag:$0x1] =	stream.indirect.gather [hbm4b:s5+s6], $0x20, s19, s6, $0xb8;
	[tilespmem:$0x8400] =	vst v63  }
0x1b: {  	_ =	swait.ge [sflag:s21], $0x1000  }
0x1c: {  	[sflag:s21] =	ssyncset.done $0x0  }
0x1d: {  	[sflag:s21] =	ssyncadd.s32 $0xFFFFF000  }
0x1e: {  	_ =	swait.ge [sflag:s21], $0x1000  }
0x1f: {  	[sflag:s21] =	ssyncset.done $0x0  }
0x20: {  	[sflag:s21] =	ssyncadd.s32 $0xFFFFF000  }
0x21: {  	_ =	swait.ge [sflag:s21], $0x1000  }
0x22: {  	[sflag:s21] =	ssyncset.done $0x0  }
0x23: {  	[sflag:s21] =	ssyncadd.s32 $0xFFFFF000  }
0x24: {  	_ =	swait.ge [sflag:s21], $0x1000  }
0x25: {  	[sflag:s21] =	ssyncset.done $0x0  }
0x26: {  	[sflag:s21] =	ssyncadd.s32 $0xFFFFF000  }
0x27: {  	_ =	swait.ge [sflag:s21], $0x1000  }
0x28: {  	[sflag:s21] =	ssyncset.done $0x0  }
0x29: {  	[sflag:s21] =	ssyncadd.s32 $0xFFFFF000  }
0x2a: {  	_ =	swait.ge [sflag:s21], $0x1000  }
0x2b: {  	[sflag:s21] =	ssyncset.done $0x0  }
0x2c: {  	s23 =	ssub.s32 $0x2, s23;
	[sflag:s21] =	ssyncadd.s32 $0xFFFFF000  }
0x2d: {  	s25 =	sshrl.u32 s23, $0x1;
	_ =	swait.ge [sflag:s21], $0x1000  }
0x2e: {  	s23 =	ssub.s32 s23, s25;
	[sflag:s21] =	ssyncset.done $0x0  }
0x2f: {  	s23 =	smax.u32 s23, $0x1;
	[sflag:s21] =	ssyncadd.s32 $0xFFFFF000  }
0x30: {  	p0 =	sne.s32 s23, $0x1;
	_ =	swait.ge [sflag:s21], $0x1000  }
.Ltmp0:
0x31: {  	s24 =	sshll.u32 s24, $0x2;
	[sflag:s21] =	ssyncset.done $0x0;
	(pc) =	sbr.rel @!p0 .LBB2_2-.Ltmp0, $4  }
0x32: {  	s22 =	sadd.s32 s22, s24;
	[sflag:s21] =	ssyncadd.s32 $0xFFFFF000  }
0x33: {  	[hbm4b:s22+s2] =	stream.linear.scatter [tilespmem:s7], [sflag:$0x2], $0x8000, $0x38;
	[tilespmem:$0x8400] =	vst v63  }
0x34: {  	_ =	swait.ge [sflag:s3], $0x8000  }
0x35: {  	s23 =	sadd.s32 $0xFFFFFFFF, s23;
	[sflag:s3] =	ssyncset.done $0x0  }
.LBB2_1:
0x36: {  	p0 =	sne.s32 s23, $0x1;
	s23 =	sadd.s32 $0xFFFFFFFF, s23;
	[sflag:s3] =	ssyncadd.s32 $0xFFFF8000  }
0x37: {  	[tilespmem:s2], [sflag:$0x2] =	stream.linear.gather [hbm4b:s4+s2], $0x400, $0x38;
	[tilespmem:$0x8400] =	vst v63  }
0x38: {  	_ =	swait.ge [sflag:s3], $0x400  }
0x39: {  	[sflag:s3] =	ssyncset.done $0x0  }
0x3a: {  	[sflag:s3] =	ssyncadd.s32 $0xFFFFFC00  }
0x3b: {  	[tilespmem:s7], [sflag:$0x1] =	stream.indirect.gather [hbm4b:s5+s6], $0x20, s2, s6, $0xb8;
	[tilespmem:$0x8400] =	vst v63  }
0x3c: {  	_ = 	snop  }
0x3d: {  	[tilespmem:s8], [sflag:$0x1] =	stream.indirect.gather [hbm4b:s5+s6], $0x20, s6, s6, $0xb8;
	[tilespmem:$0x8400] =	vst v63  }
0x3e: {  	_ = 	snop  }
0x3f: {  	[tilespmem:s10], [sflag:$0x1] =	stream.indirect.gather [hbm4b:s5+s6], $0x20, s9, s6, $0xb8;
	[tilespmem:$0x8400] =	vst v63  }
0x40: {  	_ = 	snop  }
0x41: {  	[tilespmem:s12], [sflag:$0x1] =	stream.indirect.gather [hbm4b:s5+s6], $0x20, s11, s6, $0xb8;
	[tilespmem:$0x8400] =	vst v63  }
0x42: {  	_ = 	snop  }
0x43: {  	[tilespmem:s14], [sflag:$0x1] =	stream.indirect.gather [hbm4b:s5+s6], $0x20, s13, s6, $0xb8;
	[tilespmem:$0x8400] =	vst v63  }
0x44: {  	_ = 	snop  }
0x45: {  	[tilespmem:s16], [sflag:$0x1] =	stream.indirect.gather [hbm4b:s5+s6], $0x20, s15, s6, $0xb8;
	[tilespmem:$0x8400] =	vst v63  }
0x46: {  	_ = 	snop  }
0x47: {  	[tilespmem:s18], [sflag:$0x1] =	stream.indirect.gather [hbm4b:s5+s6], $0x20, s17, s6, $0xb8;
	[tilespmem:$0x8400] =	vst v63  }
0x48: {  	_ = 	snop  }
0x49: {  	[tilespmem:s20], [sflag:$0x1] =	stream.indirect.gather [hbm4b:s5+s6], $0x20, s19, s6, $0xb8;
	[tilespmem:$0x8400] =	vst v63  }
0x4a: {  	_ =	swait.ge [sflag:s21], $0x1000  }
0x4b: {  	[sflag:s21] =	ssyncset.done $0x0  }
0x4c: {  	[sflag:s21] =	ssyncadd.s32 $0xFFFFF000  }
0x4d: {  	_ =	swait.ge [sflag:s21], $0x1000  }
0x4e: {  	[sflag:s21] =	ssyncset.done $0x0  }
0x4f: {  	[sflag:s21] =	ssyncadd.s32 $0xFFFFF000  }
0x50: {  	_ =	swait.ge [sflag:s21], $0x1000  }
0x51: {  	[sflag:s21] =	ssyncset.done $0x0  }
0x52: {  	[sflag:s21] =	ssyncadd.s32 $0xFFFFF000  }
0x53: {  	_ =	swait.ge [sflag:s21], $0x1000  }
0x54: {  	[sflag:s21] =	ssyncset.done $0x0  }
0x55: {  	[sflag:s21] =	ssyncadd.s32 $0xFFFFF000  }
0x56: {  	_ =	swait.ge [sflag:s21], $0x1000  }
0x57: {  	[sflag:s21] =	ssyncset.done $0x0  }
0x58: {  	[sflag:s21] =	ssyncadd.s32 $0xFFFFF000  }
0x59: {  	_ =	swait.ge [sflag:s21], $0x1000  }
0x5a: {  	[sflag:s21] =	ssyncset.done $0x0  }
0x5b: {  	[sflag:s21] =	ssyncadd.s32 $0xFFFFF000  }
0x5c: {  	_ =	swait.ge [sflag:s21], $0x1000  }
0x5d: {  	[sflag:s21] =	ssyncset.done $0x0  }
0x5e: {  	[sflag:s21] =	ssyncadd.s32 $0xFFFFF000  }
0x5f: {  	_ =	swait.ge [sflag:s21], $0x1000  }
.Ltmp1:
0x60: {  	[sflag:s21] =	ssyncset.done $0x0;
	(pc) =	sbr.rel @p0 .LBB2_1-.Ltmp1, $4  }
0x61: {  	[sflag:s21] =	ssyncadd.s32 $0xFFFFF000  }
0x62: {  	[hbm4b:s22+s2] =	stream.linear.scatter [tilespmem:s7], [sflag:$0x2], $0x8000, $0x38;
	[tilespmem:$0x8400] =	vst v63  }
0x63: {  	_ =	swait.ge [sflag:s3], $0x8000  }
0x64: {  	[sflag:s3] =	ssyncset.done $0x0  }
.LBB2_2:
0x65: {  	[sflag:s3] =	ssyncadd.s32 $0xFFFF8000  }
0x66: {  	_ =	sfence.sel $0x180000  }
0x67: {  	[bflag:$0x0] =	sbarrier.arrive $0xFFFF  }
0x68: {  	p0 =	sne.s32 s0, $0x0;
	_ =	strace $0x90000047  }
0x69: {  	s0 =	sadd.s32 @!p0 $0x100000, s1;
	[bflag:$0x2] =	sbarrier.arrive $0xFFFF  }
0x6a: {  	[sflag:s0] =	ssyncadd.tile.s32 @!p0 $0x1;
	_ =	shalt  }
.Lfunc_end2:
_tile_overlayer_lowered:
.L_overlay_start_2:
0x6b: {  	(tag) =	ssettag $0x2  }
0x6c: {  	s0 =	rddreg [dreg:$0x0];
	s2 =	stileid.u32  }
0x6d: {  	s1 =	rddreg [dreg:$0x1];
	p0 =	sne.s32 s2, $0x0  }
0x6e: {  	s3 =	rddreg [dreg:$0x2];
	[bflag:$0x3] =	sbarrier.arrive $0xFFFF;
	s2 =	simm.s32 @!p0 $0x1C02  }
0x6f: {  	[timem:s3], [sflag:s2] =	dma.local @!p0 [hbm:s0], s1  }
0x70: {  	s0 =	simm.s32 @!p0 $0x2  }
0x71: {  	_ =	swait.ge @!p0 [sflag:s0], s1  }
0x72: {  	s1 =	ssub.s32 @!p0 $0x0, s1;
	[sflag:s0] =	ssyncset.done @!p0 $0x0  }
0x73: {  	[sflag:s0] =	ssyncadd.s32 @!p0 s1  }
0x74: {  	[bflag:$0x3] =	sbarrier.arrive $0xFFFF  }
0x75: {  	_ =	shalt  }

</sc_bundles>
